<compile_context>
chip_gen: v7x
topology: tpu7x:2x2x1
jax: 0.10.2.dev20260603
libtpu: 0.0.44.dev20260713+nightly
codegen_flags: <defaults>
</compile_context>

<pallas_src>
import functools

import jax
import jax.numpy as jnp
from jax import lax
from jax.experimental import pallas as pl
from jax.experimental.pallas import tpu as pltpu
from jax.experimental.pallas import tpu_sc as plsc

N = 10000
E = 320000
H = 128
NC = 2
NS = 16
NW = NC * NS
EPW = E // NW
ITERS = EPW // 16


def _pack(a, b):
    ba = lax.bitcast_convert_type(a.astype(jnp.bfloat16), jnp.uint16)
    bb = lax.bitcast_convert_type(b.astype(jnp.bfloat16), jnp.uint16)
    return ((ba.astype(jnp.uint32) << 16) | bb.astype(jnp.uint32)).astype(
        jnp.int32)


def _tc_tables(fcw_ref, ftt_ref, compt_ref, w_in_ref, b_in_ref, bases_ref,
               loop_w_ref, conv_b_ref, fcb_ref, ei_ref, typ_ref,
               t0_ref, t1_ref, t2_ref, fp_ref, cp_ref, dense_ref, ep_ref):
    ei = ei_ref[...]
    ep_ref[...] = (ei[0] << 17) | (ei[1] << 3) | typ_ref[...]
    f = fcw_ref[...].reshape(N, H)
    w_aug = jnp.concatenate([w_in_ref[...], b_in_ref[...][None]], axis=0)
    cb_all = jnp.concatenate([
        w_aug @ bases_ref[0],
        w_aug @ bases_ref[1],
        w_aug @ loop_w_ref[...],
        conv_b_ref[...][None],
    ], axis=0)
    tab = lax.dot_general(cb_all, f, (((1,), (1,)), ((), ())),
                          preferred_element_type=jnp.float32)
    ftt = ftt_ref[...]
    dense = (jnp.sum(ftt * tab[6:8, :]) + jnp.sum(tab[8:10, :])
             + fcb_ref[0, 0])
    w3 = _pack(tab[0:3, :], tab[3:6, :])
    t0_ref[...] = w3[0]
    t1_ref[...] = w3[1]
    t2_ref[...] = w3[2]
    fp_ref[...] = _pack(ftt[0], ftt[1])
    cp_ref[...] = _pack(compt_ref[0], compt_ref[1])
    dense_ref[...] = jnp.reshape(dense, (1, 1))


_sc_mesh = plsc.VectorSubcoreMesh(core_axis_name="c", subcore_axis_name="s")


def _hi(w):
    return plsc.bitcast(w, jnp.float32)


def _lo(w):
    return plsc.bitcast(w << 16, jnp.float32)


@functools.partial(
    pl.kernel,
    out_type=jax.ShapeDtypeStruct((NW, 16), jnp.float32),
    mesh=_sc_mesh,
    compiler_params=pltpu.CompilerParams(
        needs_layout_passes=False, disable_bounds_checks=True),
    scratch_types=[
        pltpu.VMEM((N,), jnp.int32),
        pltpu.VMEM((N,), jnp.int32),
        pltpu.VMEM((N,), jnp.int32),
        pltpu.VMEM((N,), jnp.int32),
        pltpu.VMEM((8,), jnp.int32),
        pltpu.VMEM((EPW,), jnp.int32),
        pltpu.VMEM((16,), jnp.float32),
        pltpu.SemaphoreType.DMA,
    ],
)
def _sc_edges(t0_hbm, t1_hbm, t2_hbm, fp_hbm, cp_hbm, ep_hbm,
              out_hbm, t0_v, t1_v, t2_v, fp_v, cp_v, ep_v, out_v, sem):
    wid = lax.axis_index("s") * NC + lax.axis_index("c")
    base = wid * EPW
    copies = [
        pltpu.make_async_copy(t0_hbm, t0_v, sem),
        pltpu.make_async_copy(t1_hbm, t1_v, sem),
        pltpu.make_async_copy(t2_hbm, t2_v, sem),
        pltpu.make_async_copy(fp_hbm, fp_v, sem),
        pltpu.make_async_copy(cp_hbm, cp_v, sem),
        pltpu.make_async_copy(ep_hbm.at[pl.ds(base, EPW)], ep_v, sem),
    ]
    for c in copies:
        c.start()
    for c in copies:
        c.wait()

    @plsc.parallel_loop(0, ITERS, unroll=8,
                        carry=jnp.zeros((16,), jnp.float32))
    def acc(i, acc):
        ep = ep_v[pl.ds(i * 16, 16)]
        s = lax.shift_right_logical(ep, 17)
        d = (ep >> 3) & jnp.int32(0x3FFF)
        t = ep & jnp.int32(7)
        w0 = plsc.load_gather(t0_v, [d])
        w1 = plsc.load_gather(t1_v, [d])
        w2 = plsc.load_gather(t2_v, [d])
        wf = plsc.load_gather(fp_v, [s])
        wc = plsc.load_gather(cp_v, [t])
        fx, fy = _hi(wf), _lo(wf)
        e = (_hi(wc) * (fx * _hi(w0) + fy * _hi(w1) + _hi(w2))
             + _lo(wc) * (fx * _lo(w0) + fy * _lo(w1) + _lo(w2)))
        return acc + e

    out_v[...] = acc
    pltpu.sync_copy(out_v, out_hbm.at[wid])


def kernel(features, edge_index, edge_type, W_in, b_in, comp, bases,
           loop_w, conv_b, fc_w, fc_b):
    t0, t1, t2, fp, cp, dense, ep = pl.pallas_call(
        _tc_tables,
        out_shape=[
            jax.ShapeDtypeStruct((N,), jnp.int32),
            jax.ShapeDtypeStruct((N,), jnp.int32),
            jax.ShapeDtypeStruct((N,), jnp.int32),
            jax.ShapeDtypeStruct((N,), jnp.int32),
            jax.ShapeDtypeStruct((8,), jnp.int32),
            jax.ShapeDtypeStruct((1, 1), jnp.float32),
            jax.ShapeDtypeStruct((E,), jnp.int32),
        ],
    )(fc_w.reshape(N * H), features.T, comp.T, W_in, b_in, bases, loop_w,
      conv_b, fc_b.reshape(1, 1), edge_index, edge_type)

    partials = _sc_edges(t0, t1, t2, fp, cp, ep)
    total = jnp.sum(partials) + dense[0, 0]
    return jax.nn.sigmoid(total).reshape(1, 1)

# --- scband reference (transcript-rebuilt; emitter-appended) ---
"""Pipeline reference for scband-ppimodel-36910948942110 (READ-ONLY COPY).

The authoritative reference and input builder live on the scoring server;
editing this copy changes nothing except your own understanding.
"""

import jax, jax.numpy as jnp
import numpy as np

N = 10000
E = 320000
H = 128
R = 8
B = 2


def setup_inputs(seed: int = 0) -> dict:
    key = jax.random.key(seed)
    ks = jax.random.split(key, 10)
    features = jax.random.normal(ks[0], (N, 2), dtype=jnp.float32)
    edge_index = jax.random.randint(ks[1], (2, E), 0, N, dtype=jnp.int32)
    edge_type = jax.random.randint(ks[2], (E,), 0, R, dtype=jnp.int32)
    # input EmbeddingLayer: Linear(2 -> h_dim)
    W_in = jax.random.normal(ks[3], (2, H), dtype=jnp.float32) * 0.1
    b_in = jnp.zeros((H,), dtype=jnp.float32)
    # RelGraphConv basis decomposition: W[r] = sum_b comp[r,b] * bases[b]
    comp = jax.random.normal(ks[4], (R, B), dtype=jnp.float32) * 0.1
    bases = jax.random.normal(ks[5], (B, H, H), dtype=jnp.float32) * (1.0 / np.sqrt(H))
    loop_w = jax.random.normal(ks[6], (H, H), dtype=jnp.float32) * (1.0 / np.sqrt(H))
    conv_b = jnp.zeros((H,), dtype=jnp.float32)
    # final fc: Linear(num_nodes*h_dim -> 1)
    fc_w = jax.random.normal(ks[7], (N * H, 1), dtype=jnp.float32) * 0.001
    fc_b = jnp.zeros((1,), dtype=jnp.float32)
    return {
        "features": features,
        "edge_index": edge_index,
        "edge_type": edge_type,
        "W_in": W_in,
        "b_in": b_in,
        "comp": comp,
        "bases": bases,
        "loop_w": loop_w,
        "conv_b": conv_b,
        "fc_w": fc_w,
        "fc_b": fc_b,
    }


def reference(features, edge_index, edge_type, W_in, b_in, comp, bases, loop_w, conv_b, fc_w, fc_b):
    # EmbeddingLayer: node embedding via Linear(num_nodes=2 -> h_dim)
    h = features @ W_in + b_in  # [N, H]
    # RelGraphConv (basis): msg_e = h[src_e] @ (sum_b comp[etype_e, b] * bases[b])
    # computed low-mem style as sum_b comp[etype, b] * (h @ bases[b])
    hb = jnp.einsum("ni,bio->nbo", h, bases)  # [N, B, H]
    src = edge_index[0]
    dst = edge_index[1]
    msg = jnp.einsum("eb,ebo->eo", comp[edge_type], hb[src])  # [E, H]
    agg = jax.ops.segment_sum(msg, dst, num_segments=N)  # sum aggregation
    # self-loop + bias; activation=None for last (only) hidden layer; dropout off (eval)
    out = agg + h @ loop_w + conv_b  # [N, H]
    # flatten to [-1, num_nodes*h_dim] and fc + sigmoid
    x = out.reshape(1, N * H)
    return jax.nn.sigmoid(x @ fc_w + fc_b)

if __name__ == "__main__":
    import jax
    _d = setup_inputs()
    print(jax.jit(kernel)(*tuple(_d.values())))

</pallas_src>

<mosaic_0001>
#map = affine_map<(d0, d1) -> (0)>
#map1 = affine_map<(d0, d1) -> (0, 0)>
module attributes {stable_mosaic.version = 14 : i64} {
  func.func @_sc_edges(%arg0: i32, %arg1: i32, %arg2: memref<10000xi32, #tpu.memory_space<hbm>>, %arg3: memref<10000xi32, #tpu.memory_space<hbm>>, %arg4: memref<10000xi32, #tpu.memory_space<hbm>>, %arg5: memref<10000xi32, #tpu.memory_space<hbm>>, %arg6: memref<8xi32, #tpu.memory_space<hbm>>, %arg7: memref<320000xi32, #tpu.memory_space<hbm>>, %arg8: memref<32x16xf32, #tpu.memory_space<hbm>>, %arg9: memref<10000xi32, #tpu.memory_space<vmem>>, %arg10: memref<10000xi32, #tpu.memory_space<vmem>>, %arg11: memref<10000xi32, #tpu.memory_space<vmem>>, %arg12: memref<10000xi32, #tpu.memory_space<vmem>>, %arg13: memref<8xi32, #tpu.memory_space<vmem>>, %arg14: memref<10000xi32, #tpu.memory_space<vmem>>, %arg15: memref<16xf32, #tpu.memory_space<vmem>>, %arg16: memref<!tpu.dma_semaphore, #tpu.memory_space<semaphore_mem>>) attributes {dimension_semantics = [#tpu.dimension_semantics<core_parallel>, #tpu.dimension_semantics<subcore_parallel>], iteration_bounds = array<i64: 2, 16>, scalar_prefetch = 0 : i64, scratch_operands = 8 : i64, tpu.core_type = #tpu.core_type<sc_vector_subcore>, window_params = [{transform_indices = #map}, {transform_indices = #map}, {transform_indices = #map}, {transform_indices = #map}, {transform_indices = #map}, {transform_indices = #map}, {transform_indices = #map1}]} {
    %mul3A = arith.constant 2 : i32
    %mul3A_0 = arith.muli %arg1, %mul3A : i32
    %add3A = arith.addi %mul3A_0, %arg0 : i32
    %mul3A_1 = arith.constant 10000 : i32
    %mul3A_2 = arith.muli %add3A, %mul3A_1 : i32
    tpu.enqueue_dma source(%arg2 : memref<10000xi32, #tpu.memory_space<hbm>>) target(%arg9 : memref<10000xi32, #tpu.memory_space<vmem>>) target_semaphore(%arg16 : memref<!tpu.dma_semaphore, #tpu.memory_space<semaphore_mem>>)
    tpu.enqueue_dma source(%arg3 : memref<10000xi32, #tpu.memory_space<hbm>>) target(%arg10 : memref<10000xi32, #tpu.memory_space<vmem>>) target_semaphore(%arg16 : memref<!tpu.dma_semaphore, #tpu.memory_space<semaphore_mem>>)
    tpu.enqueue_dma source(%arg4 : memref<10000xi32, #tpu.memory_space<hbm>>) target(%arg11 : memref<10000xi32, #tpu.memory_space<vmem>>) target_semaphore(%arg16 : memref<!tpu.dma_semaphore, #tpu.memory_space<semaphore_mem>>)
    tpu.enqueue_dma source(%arg5 : memref<10000xi32, #tpu.memory_space<hbm>>) target(%arg12 : memref<10000xi32, #tpu.memory_space<vmem>>) target_semaphore(%arg16 : memref<!tpu.dma_semaphore, #tpu.memory_space<semaphore_mem>>)
    tpu.enqueue_dma source(%arg6 : memref<8xi32, #tpu.memory_space<hbm>>) target(%arg13 : memref<8xi32, #tpu.memory_space<vmem>>) target_semaphore(%arg16 : memref<!tpu.dma_semaphore, #tpu.memory_space<semaphore_mem>>)
    %dma_start3A = tpu.memref_slice %arg7[%mul3A_2] : memref<320000xi32, #tpu.memory_space<hbm>> -> memref<10000xi32, #tpu.memory_space<hbm>>
    %dma_start3A_3 = tpu.memref_slice %arg7[%mul3A_2] : memref<320000xi32, #tpu.memory_space<hbm>> -> memref<10000xi32, #tpu.memory_space<hbm>>
    tpu.enqueue_dma source(%dma_start3A_3 : memref<10000xi32, #tpu.memory_space<hbm>>) target(%arg14 : memref<10000xi32, #tpu.memory_space<vmem>>) target_semaphore(%arg16 : memref<!tpu.dma_semaphore, #tpu.memory_space<semaphore_mem>>)
    tpu.wait_dma2 semaphore(%arg16 : memref<!tpu.dma_semaphore, #tpu.memory_space<semaphore_mem>>) src(%arg2 : memref<10000xi32, #tpu.memory_space<hbm>>) dst(%arg9 : memref<10000xi32, #tpu.memory_space<vmem>>)
    tpu.wait_dma2 semaphore(%arg16 : memref<!tpu.dma_semaphore, #tpu.memory_space<semaphore_mem>>) src(%arg3 : memref<10000xi32, #tpu.memory_space<hbm>>) dst(%arg10 : memref<10000xi32, #tpu.memory_space<vmem>>)
    tpu.wait_dma2 semaphore(%arg16 : memref<!tpu.dma_semaphore, #tpu.memory_space<semaphore_mem>>) src(%arg4 : memref<10000xi32, #tpu.memory_space<hbm>>) dst(%arg11 : memref<10000xi32, #tpu.memory_space<vmem>>)
    tpu.wait_dma2 semaphore(%arg16 : memref<!tpu.dma_semaphore, #tpu.memory_space<semaphore_mem>>) src(%arg5 : memref<10000xi32, #tpu.memory_space<hbm>>) dst(%arg12 : memref<10000xi32, #tpu.memory_space<vmem>>)
    tpu.wait_dma2 semaphore(%arg16 : memref<!tpu.dma_semaphore, #tpu.memory_space<semaphore_mem>>) src(%arg6 : memref<8xi32, #tpu.memory_space<hbm>>) dst(%arg13 : memref<8xi32, #tpu.memory_space<vmem>>)
    %dma_wait3A = tpu.memref_slice %arg7[%mul3A_2] : memref<320000xi32, #tpu.memory_space<hbm>> -> memref<10000xi32, #tpu.memory_space<hbm>>
    %dma_wait3A_4 = tpu.memref_slice %arg7[%mul3A_2] : memref<320000xi32, #tpu.memory_space<hbm>> -> memref<10000xi32, #tpu.memory_space<hbm>>
    tpu.wait_dma2 semaphore(%arg16 : memref<!tpu.dma_semaphore, #tpu.memory_space<semaphore_mem>>) src(%dma_wait3A_4 : memref<10000xi32, #tpu.memory_space<hbm>>) dst(%arg14 : memref<10000xi32, #tpu.memory_space<vmem>>)
    %broadcast_in_dim3A = arith.constant 0.000000e+00 : f32
    %broadcast_in_dim3A_5 = vector.broadcast %broadcast_in_dim3A : f32 to vector<16xf32>
    %parallel_loop3A = arith.constant 0 : i32
    %parallel_loop3A_6 = arith.constant 625 : i32
    %parallel_loop3A_7 = arith.constant 1 : i32
    %parallel_loop3A_8 = scf.for %parallel_loop3A_10 = %parallel_loop3A to %parallel_loop3A_6 step %parallel_loop3A_7 iter_args(%parallel_loop3A_11 = %broadcast_in_dim3A_5) -> (vector<16xf32>)  : i32 {
      %parallel_loop3A_12 = arith.constant 16 : i32
      %parallel_loop3A_13 = arith.muli %parallel_loop3A_10, %parallel_loop3A_12 : i32
      %parallel_loop3A_14 = arith.index_cast %parallel_loop3A_13 : i32 to index
      %parallel_loop3A_15 = tpu.vector_load %arg14[%parallel_loop3A_14] {strides = array<i32>} : memref<10000xi32, #tpu.memory_space<vmem>>, vector<16xi32>,
      %parallel_loop3A_16 = arith.constant 17 : i32
      %parallel_loop3A_17 = vector.broadcast %parallel_loop3A_16 : i32 to vector<16xi32>
      %parallel_loop3A_18 = arith.shrui %parallel_loop3A_15, %parallel_loop3A_17 : vector<16xi32>
      %parallel_loop3A_19 = arith.constant 3 : i32
      %parallel_loop3A_20 = vector.broadcast %parallel_loop3A_19 : i32 to vector<16xi32>
      %parallel_loop3A_21 = arith.shrsi %parallel_loop3A_15, %parallel_loop3A_20 : vector<16xi32>
      %parallel_loop3A_22 = arith.constant 16383 : i32
      %parallel_loop3A_23 = vector.broadcast %parallel_loop3A_22 : i32 to vector<16xi32>
      %parallel_loop3A_24 = arith.andi %parallel_loop3A_21, %parallel_loop3A_23 : vector<16xi32>
      %parallel_loop3A_25 = arith.constant 7 : i32
      %parallel_loop3A_26 = vector.broadcast %parallel_loop3A_25 : i32 to vector<16xi32>
      %parallel_loop3A_27 = arith.andi %parallel_loop3A_15, %parallel_loop3A_26 : vector<16xi32>
      %parallel_loop3A_28 = tpu.vector_load_idx %arg9[%parallel_loop3A_24] : memref<10000xi32, #tpu.memory_space<vmem>>[vector<16xi32>], vector<16xi32>,
      %parallel_loop3A_29 = tpu.vector_load_idx %arg10[%parallel_loop3A_24] : memref<10000xi32, #tpu.memory_space<vmem>>[vector<16xi32>], vector<16xi32>,
      %parallel_loop3A_30 = tpu.vector_load_idx %arg11[%parallel_loop3A_24] : memref<10000xi32, #tpu.memory_space<vmem>>[vector<16xi32>], vector<16xi32>,
      %parallel_loop3A_31 = tpu.vector_load_idx %arg12[%parallel_loop3A_18] : memref<10000xi32, #tpu.memory_space<vmem>>[vector<16xi32>], vector<16xi32>,
      %parallel_loop3A_32 = tpu.vector_load_idx %arg13[%parallel_loop3A_27] : memref<8xi32, #tpu.memory_space<vmem>>[vector<16xi32>], vector<16xi32>,
      %parallel_loop3A_33 = vector.bitcast %parallel_loop3A_31 : vector<16xi32> to vector<16xf32>
      %parallel_loop3A_34 = arith.constant 16 : i32
      %parallel_loop3A_35 = vector.broadcast %parallel_loop3A_34 : i32 to vector<16xi32>
      %parallel_loop3A_36 = arith.shli %parallel_loop3A_31, %parallel_loop3A_35 : vector<16xi32>
      %parallel_loop3A_37 = vector.bitcast %parallel_loop3A_36 : vector<16xi32> to vector<16xf32>
      %parallel_loop3A_38 = vector.bitcast %parallel_loop3A_32 : vector<16xi32> to vector<16xf32>
      %parallel_loop3A_39 = vector.bitcast %parallel_loop3A_28 : vector<16xi32> to vector<16xf32>
      %parallel_loop3A_40 = arith.mulf %parallel_loop3A_33, %parallel_loop3A_39 : vector<16xf32>
      %parallel_loop3A_41 = vector.bitcast %parallel_loop3A_29 : vector<16xi32> to vector<16xf32>
      %parallel_loop3A_42 = arith.mulf %parallel_loop3A_37, %parallel_loop3A_41 : vector<16xf32>
      %parallel_loop3A_43 = arith.addf %parallel_loop3A_40, %parallel_loop3A_42 : vector<16xf32>
      %parallel_loop3A_44 = vector.bitcast %parallel_loop3A_30 : vector<16xi32> to vector<16xf32>
      %parallel_loop3A_45 = arith.addf %parallel_loop3A_43, %parallel_loop3A_44 : vector<16xf32>
      %parallel_loop3A_46 = arith.mulf %parallel_loop3A_38, %parallel_loop3A_45 : vector<16xf32>
      %parallel_loop3A_47 = arith.constant 16 : i32
      %parallel_loop3A_48 = vector.broadcast %parallel_loop3A_47 : i32 to vector<16xi32>
      %parallel_loop3A_49 = arith.shli %parallel_loop3A_32, %parallel_loop3A_48 : vector<16xi32>
      %parallel_loop3A_50 = vector.bitcast %parallel_loop3A_49 : vector<16xi32> to vector<16xf32>
      %parallel_loop3A_51 = arith.constant 16 : i32
      %parallel_loop3A_52 = vector.broadcast %parallel_loop3A_51 : i32 to vector<16xi32>
      %parallel_loop3A_53 = arith.shli %parallel_loop3A_28, %parallel_loop3A_52 : vector<16xi32>
      %parallel_loop3A_54 = vector.bitcast %parallel_loop3A_53 : vector<16xi32> to vector<16xf32>
      %parallel_loop3A_55 = arith.mulf %parallel_loop3A_33, %parallel_loop3A_54 : vector<16xf32>
      %parallel_loop3A_56 = arith.constant 16 : i32
      %parallel_loop3A_57 = vector.broadcast %parallel_loop3A_56 : i32 to vector<16xi32>
      %parallel_loop3A_58 = arith.shli %parallel_loop3A_29, %parallel_loop3A_57 : vector<16xi32>
      %parallel_loop3A_59 = vector.bitcast %parallel_loop3A_58 : vector<16xi32> to vector<16xf32>
      %parallel_loop3A_60 = arith.mulf %parallel_loop3A_37, %parallel_loop3A_59 : vector<16xf32>
      %parallel_loop3A_61 = arith.addf %parallel_loop3A_55, %parallel_loop3A_60 : vector<16xf32>
      %parallel_loop3A_62 = arith.constant 16 : i32
      %parallel_loop3A_63 = vector.broadcast %parallel_loop3A_62 : i32 to vector<16xi32>
      %parallel_loop3A_64 = arith.shli %parallel_loop3A_30, %parallel_loop3A_63 : vector<16xi32>
      %parallel_loop3A_65 = vector.bitcast %parallel_loop3A_64 : vector<16xi32> to vector<16xf32>
      %parallel_loop3A_66 = arith.addf %parallel_loop3A_61, %parallel_loop3A_65 : vector<16xf32>
      %parallel_loop3A_67 = arith.mulf %parallel_loop3A_50, %parallel_loop3A_66 : vector<16xf32>
      %parallel_loop3A_68 = arith.addf %parallel_loop3A_46, %parallel_loop3A_67 : vector<16xf32>
      %parallel_loop3A_69 = arith.addf %parallel_loop3A_11, %parallel_loop3A_68 : vector<16xf32>
      scf.yield %parallel_loop3A_69 : vector<16xf32>
    } {sc.loop_unroll_factor = 8 : i64, sc.parallel_access}
    %swap3A = arith.constant 0 : index
    %swap3A_9 = tpu.vector_load %arg15[%swap3A] {strides = array<i32>} : memref<16xf32, #tpu.memory_space<vmem>>, vector<16xf32>,
    tpu.vector_store %arg15[%swap3A], %parallel_loop3A_8 {strides = array<i32>} : memref<16xf32, #tpu.memory_space<vmem>>, vector<16xf32>,
    "tpu.region"() ({
      %run_scoped3A = tpu.sem_alloc : memref<!tpu.dma_semaphore, #tpu.memory_space<semaphore_mem>>
      %dma_start3A_10 = arith.constant 0 : i32
      %dma_start3A_11 = tpu.memref_slice %arg8[%add3A, %dma_start3A_10] : memref<32x16xf32, #tpu.memory_space<hbm>> -> memref<1x16xf32, #tpu.memory_space<hbm>>
      %dma_start3A_12 = tpu.memref_squeeze %dma_start3A_11 : memref<1x16xf32, #tpu.memory_space<hbm>> -> memref<16xf32, #tpu.memory_space<hbm>>
      %dma_start3A_13 = arith.constant 0 : i32
      %dma_start3A_14 = tpu.memref_slice %arg8[%add3A, %dma_start3A_13] : memref<32x16xf32, #tpu.memory_space<hbm>> -> memref<1x16xf32, #tpu.memory_space<hbm>>
      %dma_start3A_15 = tpu.memref_squeeze %dma_start3A_14 : memref<1x16xf32, #tpu.memory_space<hbm>> -> memref<16xf32, #tpu.memory_space<hbm>>
      tpu.enqueue_dma source(%arg15 : memref<16xf32, #tpu.memory_space<vmem>>) target(%dma_start3A_15 : memref<16xf32, #tpu.memory_space<hbm>>) target_semaphore(%run_scoped3A : memref<!tpu.dma_semaphore, #tpu.memory_space<semaphore_mem>>)
      %dma_wait3A_16 = arith.constant 0 : i32
      %dma_wait3A_17 = tpu.memref_slice %arg8[%add3A, %dma_wait3A_16] : memref<32x16xf32, #tpu.memory_space<hbm>> -> memref<1x16xf32, #tpu.memory_space<hbm>>
      %dma_wait3A_18 = tpu.memref_squeeze %dma_wait3A_17 : memref<1x16xf32, #tpu.memory_space<hbm>> -> memref<16xf32, #tpu.memory_space<hbm>>
      %dma_wait3A_19 = arith.constant 0 : i32
      %dma_wait3A_20 = tpu.memref_slice %arg8[%add3A, %dma_wait3A_19] : memref<32x16xf32, #tpu.memory_space<hbm>> -> memref<1x16xf32, #tpu.memory_space<hbm>>
      %dma_wait3A_21 = tpu.memref_squeeze %dma_wait3A_20 : memref<1x16xf32, #tpu.memory_space<hbm>> -> memref<16xf32, #tpu.memory_space<hbm>>
      tpu.wait_dma2 semaphore(%run_scoped3A : memref<!tpu.dma_semaphore, #tpu.memory_space<semaphore_mem>>) src(%arg15 : memref<16xf32, #tpu.memory_space<vmem>>) dst(%dma_wait3A_21 : memref<16xf32, #tpu.memory_space<hbm>>)
      tpu.yield
    }) : () -> ()
    return
  }
}

module attributes {stable_mosaic.version = 14 : i64} {
  func.func @_tc_tables(%arg0: memref<1280000xf32, #tpu.memory_space<vmem>>, %arg1: memref<2x10000xf32, #tpu.memory_space<vmem>>, %arg2: memref<2x8xf32, #tpu.memory_space<vmem>>, %arg3: memref<2x128xf32, #tpu.memory_space<vmem>>, %arg4: memref<128xf32, #tpu.memory_space<vmem>>, %arg5: memref<2x128x128xf32, #tpu.memory_space<vmem>>, %arg6: memref<128x128xf32, #tpu.memory_space<vmem>>, %arg7: memref<128xf32, #tpu.memory_space<vmem>>, %arg8: memref<1x1xf32, #tpu.memory_space<vmem>>, %arg9: memref<2x320000xi32, #tpu.memory_space<vmem>>, %arg10: memref<320000xi32, #tpu.memory_space<vmem>>, %arg11: memref<10000xi32, #tpu.memory_space<vmem>>, %arg12: memref<10000xi32, #tpu.memory_space<vmem>>, %arg13: memref<10000xi32, #tpu.memory_space<vmem>>, %arg14: memref<10000xi32, #tpu.memory_space<vmem>>, %arg15: memref<8xi32, #tpu.memory_space<vmem>>, %arg16: memref<1x1xf32, #tpu.memory_space<vmem>>, %arg17: memref<320000xi32, #tpu.memory_space<vmem>>) attributes {dimension_semantics = [], scalar_prefetch = 0 : i64, scratch_operands = 0 : i64, tpu.core_type = #tpu.core_type<tc>} {
    %get3A = arith.constant 0 : index
    %get3A_0 = arith.constant 0 : index
    %get3A_1 = vector.load %arg9[%get3A, %get3A_0] : memref<2x320000xi32, #tpu.memory_space<vmem>>, vector<2x320000xi32>
    %slice3A = vector.extract_strided_slice %get3A_1 {offsets = [0, 0], sizes = [1, 320000], strides = [1, 1]} : vector<2x320000xi32> to vector<1x320000xi32>
    %squeeze3A = vector.shape_cast %slice3A : vector<1x320000xi32> to vector<320000xi32>
    %shift_left3A = arith.constant 17 : i32
    %shift_left3A_2 = vector.broadcast %shift_left3A : i32 to vector<320000xi32>
    %shift_left3A_3 = arith.shli %squeeze3A, %shift_left3A_2 : vector<320000xi32>
    %slice3A_4 = vector.extract_strided_slice %get3A_1 {offsets = [1, 0], sizes = [1, 320000], strides = [1, 1]} : vector<2x320000xi32> to vector<1x320000xi32>
    %squeeze3A_5 = vector.shape_cast %slice3A_4 : vector<1x320000xi32> to vector<320000xi32>
    %shift_left3A_6 = arith.constant 3 : i32
    %shift_left3A_7 = vector.broadcast %shift_left3A_6 : i32 to vector<320000xi32>
    %shift_left3A_8 = arith.shli %squeeze3A_5, %shift_left3A_7 : vector<320000xi32>
    %or3A = arith.ori %shift_left3A_3, %shift_left3A_8 : vector<320000xi32>
    %get3A_9 = arith.constant 0 : index
    %get3A_10 = vector.load %arg10[%get3A_9] : memref<320000xi32, #tpu.memory_space<vmem>>, vector<320000xi32>
    %or3A_11 = arith.ori %or3A, %get3A_10 : vector<320000xi32>
    %swap3A = arith.constant 0 : index
    %swap3A_12 = vector.load %arg17[%swap3A] : memref<320000xi32, #tpu.memory_space<vmem>>, vector<320000xi32>
    tpu.vector_store %arg17[%swap3A], %or3A_11 {strides = array<i32>} : memref<320000xi32, #tpu.memory_space<vmem>>, vector<320000xi32>,
    %get3A_13 = arith.constant 0 : index
    %get3A_14 = vector.load %arg0[%get3A_13] : memref<1280000xf32, #tpu.memory_space<vmem>>, vector<1280000xf32>
    %reshape3A = vector.shape_cast %get3A_14 : vector<1280000xf32> to vector<10000x128xf32>
    %get3A_15 = arith.constant 0 : index
    %get3A_16 = arith.constant 0 : index
    %get3A_17 = vector.load %arg3[%get3A_15, %get3A_16] : memref<2x128xf32, #tpu.memory_space<vmem>>, vector<2x128xf32>
    %get3A_18 = arith.constant 0 : index
    %get3A_19 = vector.load %arg4[%get3A_18] : memref<128xf32, #tpu.memory_space<vmem>>, vector<128xf32>
    %broadcast_in_dim3A = vector.shape_cast %get3A_19 : vector<128xf32> to vector<1x128xf32>
    %concatenate3A = tpu.concatenate %get3A_17, %broadcast_in_dim3A in 0 : vector<2x128xf32>, vector<1x128xf32> -> vector<3x128xf32>
    %get3A_20 = arith.constant 0 : index
    %get3A_21 = arith.constant 0 : index
    %get3A_22 = arith.constant 0 : index
    %get3A_23 = vector.load %arg5[%get3A_20, %get3A_21, %get3A_22] : memref<2x128x128xf32, #tpu.memory_space<vmem>>, vector<1x128x128xf32>
    %get3A_24 = vector.shape_cast %get3A_23 : vector<1x128x128xf32> to vector<128x128xf32>
    %dot_general3A = arith.constant dense<0.000000e+00> : vector<3x128xf32>
    %dot_general3A_25 = tpu.matmul %concatenate3A, %get3A_24, %dot_general3A {dimension_numbers = #tpu.dot_dimension_numbers<[1], [0], [0], [1], [0, 0, 1, 1], [], []>, transpose_lhs_hint = false} : vector<3x128xf32>, vector<128x128xf32>, vector<3x128xf32> -> vector<3x128xf32>
    %get3A_26 = arith.constant 1 : index
    %get3A_27 = arith.constant 0 : index
    %get3A_28 = arith.constant 0 : index
    %get3A_29 = vector.load %arg5[%get3A_26, %get3A_27, %get3A_28] : memref<2x128x128xf32, #tpu.memory_space<vmem>>, vector<1x128x128xf32>
    %get3A_30 = vector.shape_cast %get3A_29 : vector<1x128x128xf32> to vector<128x128xf32>
    %dot_general3A_31 = arith.constant dense<0.000000e+00> : vector<3x128xf32>
    %dot_general3A_32 = tpu.matmul %concatenate3A, %get3A_30, %dot_general3A_31 {dimension_numbers = #tpu.dot_dimension_numbers<[1], [0], [0], [1], [0, 0, 1, 1], [], []>, transpose_lhs_hint = false} : vector<3x128xf32>, vector<128x128xf32>, vector<3x128xf32> -> vector<3x128xf32>
    %get3A_33 = arith.constant 0 : index
    %get3A_34 = arith.constant 0 : index
    %get3A_35 = vector.load %arg6[%get3A_33, %get3A_34] : memref<128x128xf32, #tpu.memory_space<vmem>>, vector<128x128xf32>
    %dot_general3A_36 = arith.constant dense<0.000000e+00> : vector<3x128xf32>
    %dot_general3A_37 = tpu.matmul %concatenate3A, %get3A_35, %dot_general3A_36 {dimension_numbers = #tpu.dot_dimension_numbers<[1], [0], [0], [1], [0, 0, 1, 1], [], []>, transpose_lhs_hint = false} : vector<3x128xf32>, vector<128x128xf32>, vector<3x128xf32> -> vector<3x128xf32>
    %get3A_38 = arith.constant 0 : index
    %get3A_39 = vector.load %arg7[%get3A_38] : memref<128xf32, #tpu.memory_space<vmem>>, vector<128xf32>
    %broadcast_in_dim3A_40 = vector.shape_cast %get3A_39 : vector<128xf32> to vector<1x128xf32>
    %concatenate3A_41 = tpu.concatenate %dot_general3A_25, %dot_general3A_32, %dot_general3A_37, %broadcast_in_dim3A_40 in 0 : vector<3x128xf32>, vector<3x128xf32>, vector<3x128xf32>, vector<1x128xf32> -> vector<10x128xf32>
    %dot_general3A_42 = arith.constant dense<0.000000e+00> : vector<10x10000xf32>
    %dot_general3A_43 = tpu.matmul %concatenate3A_41, %reshape3A, %dot_general3A_42 {dimension_numbers = #tpu.dot_dimension_numbers<[1], [1], [0], [0], [0, 0, 1, 0], [], []>, transpose_lhs_hint = false} : vector<10x128xf32>, vector<10000x128xf32>, vector<10x10000xf32> -> vector<10x10000xf32>
    %get3A_44 = arith.constant 0 : index
    %get3A_45 = arith.constant 0 : index
    %get3A_46 = vector.load %arg1[%get3A_44, %get3A_45] : memref<2x10000xf32, #tpu.memory_space<vmem>>, vector<2x10000xf32>
    %slice3A_47 = vector.extract_strided_slice %dot_general3A_43 {offsets = [6, 0], sizes = [2, 10000], strides = [1, 1]} : vector<10x10000xf32> to vector<2x10000xf32>
    %mul3A = arith.mulf %get3A_46, %slice3A_47 : vector<2x10000xf32>
    %reduce_sum3A = vector.shape_cast %mul3A : vector<2x10000xf32> to vector<1x2x10000xf32>
    %reduce_sum3A_48 = arith.constant dense<0.000000e+00> : vector<1xf32>
    %reduce_sum3A_49 = vector.multi_reduction <add>, %reduce_sum3A, %reduce_sum3A_48 [1, 2] : vector<1x2x10000xf32> to vector<1xf32>
    %reduce_sum3A_50 = vector.shape_cast %reduce_sum3A_49 : vector<1xf32> to vector<1x1x1xf32>
    %reduce_sum3A_51 = vector.extract %reduce_sum3A_50[0, 0, 0] : f32 from vector<1x1x1xf32>
    %slice3A_52 = vector.extract_strided_slice %dot_general3A_43 {offsets = [8, 0], sizes = [2, 10000], strides = [1, 1]} : vector<10x10000xf32> to vector<2x10000xf32>
    %reduce_sum3A_53 = vector.shape_cast %slice3A_52 : vector<2x10000xf32> to vector<1x2x10000xf32>
    %reduce_sum3A_54 = arith.constant dense<0.000000e+00> : vector<1xf32>
    %reduce_sum3A_55 = vector.multi_reduction <add>, %reduce_sum3A_53, %reduce_sum3A_54 [1, 2] : vector<1x2x10000xf32> to vector<1xf32>
    %reduce_sum3A_56 = vector.shape_cast %reduce_sum3A_55 : vector<1xf32> to vector<1x1x1xf32>
    %reduce_sum3A_57 = vector.extract %reduce_sum3A_56[0, 0, 0] : f32 from vector<1x1x1xf32>
    %add3A = arith.addf %reduce_sum3A_51, %reduce_sum3A_57 : f32
    %get3A_58 = arith.constant 0 : index
    %get3A_59 = arith.constant 0 : index
    %get3A_60 = vector.load %arg8[%get3A_58, %get3A_59] : memref<1x1xf32, #tpu.memory_space<vmem>>, vector<1x1xf32>
    %get3A_61 = vector.extract %get3A_60[0, 0] : f32 from vector<1x1xf32>
    %add3A_62 = arith.addf %add3A, %get3A_61 : f32
    %slice3A_63 = vector.extract_strided_slice %dot_general3A_43 {offsets = [0, 0], sizes = [3, 10000], strides = [1, 1]} : vector<10x10000xf32> to vector<3x10000xf32>
    %slice3A_64 = vector.extract_strided_slice %dot_general3A_43 {offsets = [3, 0], sizes = [3, 10000], strides = [1, 1]} : vector<10x10000xf32> to vector<3x10000xf32>
    %convert_element_type3A = arith.truncf %slice3A_63 : vector<3x10000xf32> to vector<3x10000xbf16>
    %bitcast_convert_type3A = tpu.bitcast %convert_element_type3A : vector<3x10000xbf16> -> vector<3x10000xi16>
    %convert_element_type3A_65 = arith.truncf %slice3A_64 : vector<3x10000xf32> to vector<3x10000xbf16>
    %bitcast_convert_type3A_66 = tpu.bitcast %convert_element_type3A_65 : vector<3x10000xbf16> -> vector<3x10000xi16>
    %convert_element_type3A_67 = arith.extui %bitcast_convert_type3A : vector<3x10000xi16> to vector<3x10000xi32>
    %shift_left3A_68 = arith.constant 16 : i32
    %shift_left3A_69 = vector.broadcast %shift_left3A_68 : i32 to vector<3x10000xi32>
    %shift_left3A_70 = arith.shli %convert_element_type3A_67, %shift_left3A_69 : vector<3x10000xi32>
    %convert_element_type3A_71 = arith.extui %bitcast_convert_type3A_66 : vector<3x10000xi16> to vector<3x10000xi32>
    %or3A_72 = arith.ori %shift_left3A_70, %convert_element_type3A_71 : vector<3x10000xi32>
    %slice3A_73 = vector.extract_strided_slice %or3A_72 {offsets = [0, 0], sizes = [1, 10000], strides = [1, 1]} : vector<3x10000xi32> to vector<1x10000xi32>
    %squeeze3A_74 = vector.shape_cast %slice3A_73 : vector<1x10000xi32> to vector<10000xi32>
    %swap3A_75 = arith.constant 0 : index
    %swap3A_76 = vector.load %arg11[%swap3A_75] : memref<10000xi32, #tpu.memory_space<vmem>>, vector<10000xi32>
    tpu.vector_store %arg11[%swap3A_75], %squeeze3A_74 {strides = array<i32>} : memref<10000xi32, #tpu.memory_space<vmem>>, vector<10000xi32>,
    %slice3A_77 = vector.extract_strided_slice %or3A_72 {offsets = [1, 0], sizes = [1, 10000], strides = [1, 1]} : vector<3x10000xi32> to vector<1x10000xi32>
    %squeeze3A_78 = vector.shape_cast %slice3A_77 : vector<1x10000xi32> to vector<10000xi32>
    %swap3A_79 = arith.constant 0 : index
    %swap3A_80 = vector.load %arg12[%swap3A_79] : memref<10000xi32, #tpu.memory_space<vmem>>, vector<10000xi32>
    tpu.vector_store %arg12[%swap3A_79], %squeeze3A_78 {strides = array<i32>} : memref<10000xi32, #tpu.memory_space<vmem>>, vector<10000xi32>,
    %slice3A_81 = vector.extract_strided_slice %or3A_72 {offsets = [2, 0], sizes = [1, 10000], strides = [1, 1]} : vector<3x10000xi32> to vector<1x10000xi32>
    %squeeze3A_82 = vector.shape_cast %slice3A_81 : vector<1x10000xi32> to vector<10000xi32>
    %swap3A_83 = arith.constant 0 : index
    %swap3A_84 = vector.load %arg13[%swap3A_83] : memref<10000xi32, #tpu.memory_space<vmem>>, vector<10000xi32>
    tpu.vector_store %arg13[%swap3A_83], %squeeze3A_82 {strides = array<i32>} : memref<10000xi32, #tpu.memory_space<vmem>>, vector<10000xi32>,
    %slice3A_85 = vector.extract_strided_slice %get3A_46 {offsets = [0, 0], sizes = [1, 10000], strides = [1, 1]} : vector<2x10000xf32> to vector<1x10000xf32>
    %squeeze3A_86 = vector.shape_cast %slice3A_85 : vector<1x10000xf32> to vector<10000xf32>
    %slice3A_87 = vector.extract_strided_slice %get3A_46 {offsets = [1, 0], sizes = [1, 10000], strides = [1, 1]} : vector<2x10000xf32> to vector<1x10000xf32>
    %squeeze3A_88 = vector.shape_cast %slice3A_87 : vector<1x10000xf32> to vector<10000xf32>
    %convert_element_type3A_89 = arith.truncf %squeeze3A_86 : vector<10000xf32> to vector<10000xbf16>
    %bitcast_convert_type3A_90 = tpu.bitcast %convert_element_type3A_89 : vector<10000xbf16> -> vector<10000xi16>
    %convert_element_type3A_91 = arith.truncf %squeeze3A_88 : vector<10000xf32> to vector<10000xbf16>
    %bitcast_convert_type3A_92 = tpu.bitcast %convert_element_type3A_91 : vector<10000xbf16> -> vector<10000xi16>
    %convert_element_type3A_93 = arith.extui %bitcast_convert_type3A_90 : vector<10000xi16> to vector<10000xi32>
    %shift_left3A_94 = arith.constant 16 : i32
    %shift_left3A_95 = vector.broadcast %shift_left3A_94 : i32 to vector<10000xi32>
    %shift_left3A_96 = arith.shli %convert_element_type3A_93, %shift_left3A_95 : vector<10000xi32>
    %convert_element_type3A_97 = arith.extui %bitcast_convert_type3A_92 : vector<10000xi16> to vector<10000xi32>
    %or3A_98 = arith.ori %shift_left3A_96, %convert_element_type3A_97 : vector<10000xi32>
    %swap3A_99 = arith.constant 0 : index
    %swap3A_100 = vector.load %arg14[%swap3A_99] : memref<10000xi32, #tpu.memory_space<vmem>>, vector<10000xi32>
    tpu.vector_store %arg14[%swap3A_99], %or3A_98 {strides = array<i32>} : memref<10000xi32, #tpu.memory_space<vmem>>, vector<10000xi32>,
    %get3A_101 = arith.constant 0 : index
    %get3A_102 = arith.constant 0 : index
    %get3A_103 = vector.load %arg2[%get3A_101, %get3A_102] : memref<2x8xf32, #tpu.memory_space<vmem>>, vector<1x8xf32>
    %get3A_104 = vector.shape_cast %get3A_103 : vector<1x8xf32> to vector<8xf32>
    %get3A_105 = arith.constant 1 : index
    %get3A_106 = arith.constant 0 : index
    %get3A_107 = vector.load %arg2[%get3A_105, %get3A_106] : memref<2x8xf32, #tpu.memory_space<vmem>>, vector<1x8xf32>
    %get3A_108 = vector.shape_cast %get3A_107 : vector<1x8xf32> to vector<8xf32>
    %convert_element_type3A_109 = arith.truncf %get3A_104 : vector<8xf32> to vector<8xbf16>
    %bitcast_convert_type3A_110 = tpu.bitcast %convert_element_type3A_109 : vector<8xbf16> -> vector<8xi16>
    %convert_element_type3A_111 = arith.truncf %get3A_108 : vector<8xf32> to vector<8xbf16>
    %bitcast_convert_type3A_112 = tpu.bitcast %convert_element_type3A_111 : vector<8xbf16> -> vector<8xi16>
    %convert_element_type3A_113 = arith.extui %bitcast_convert_type3A_110 : vector<8xi16> to vector<8xi32>
    %shift_left3A_114 = arith.constant 16 : i32
    %shift_left3A_115 = vector.broadcast %shift_left3A_114 : i32 to vector<8xi32>
    %shift_left3A_116 = arith.shli %convert_element_type3A_113, %shift_left3A_115 : vector<8xi32>
    %convert_element_type3A_117 = arith.extui %bitcast_convert_type3A_112 : vector<8xi16> to vector<8xi32>
    %or3A_118 = arith.ori %shift_left3A_116, %convert_element_type3A_117 : vector<8xi32>
    %swap3A_119 = arith.constant 0 : index
    %swap3A_120 = vector.load %arg15[%swap3A_119] : memref<8xi32, #tpu.memory_space<vmem>>, vector<8xi32>
    tpu.vector_store %arg15[%swap3A_119], %or3A_118 {strides = array<i32>} : memref<8xi32, #tpu.memory_space<vmem>>, vector<8xi32>,
    %reshape3A_121 = vector.broadcast %add3A_62 : f32 to vector<1x1xf32>
    %swap3A_122 = arith.constant 0 : index
    %swap3A_123 = arith.constant 0 : index
    %swap3A_124 = vector.load %arg16[%swap3A_122, %swap3A_123] : memref<1x1xf32, #tpu.memory_space<vmem>>, vector<1x1xf32>
    tpu.vector_store %arg16[%swap3A_122, %swap3A_123], %reshape3A_121 {strides = array<i32>} : memref<1x1xf32, #tpu.memory_space<vmem>>, vector<1x1xf32>,
    return
  }
}

</mosaic_0001>

<sc_bundles>
// kernel: kernel.4.cloned.1.call-start
scs
__scs_entry_jumppad:
0x0: {  	(pc) =	sbr.rel $0x88, $3  }
0x1: {  	(tag) =	ssettag $0x0;
	lr =	simm.s32 $0x1  }
0x2: {  	[smem:$0x3F96] =	sst lr;
	_ =	strace $0xD0000000  }
0x3: {  	_ = 	snop  }
0x4: {  	_ = 	snop  }
0x5: {  	_ = 	snop  }
0x6: {  	_ = 	snop  }
0x7: {  	_ = 	snop  }
__scs_overlays_trampoline_lowered:
0x8: {  	[smem:$0x3FA5] =	sst s0  }
0x9: {  	[smem:$0x3FA6] =	sst s1  }
0xa: {  	[smem:$0x3FA7] =	sst s2  }
0xb: {  	[smem:$0x3FA8] =	sst s3  }
0xc: {  	[smem:$0x3FA9] =	sst s4  }
0xd: {  	[smem:$0x3FAA] =	sst s5  }
0xe: {  	[smem:$0x3FAB] =	sst s6  }
0xf: {  	[smem:$0x3FAC] =	sst s7  }
0x10: {  	[smem:$0x3FAD] =	sst s8  }
0x11: {  	[smem:$0x3FAE] =	sst s9;
	s0 =	simm.s32 @!p0 $0x0  }
0x12: {  	s1 =	sld [smem:$0x3F94];
	s0 =	simm.s32 @p0 $0x1  }
0x13: {  	[smem:$0x3FAF] =	sst s0;
	s0 =	simm.s32 @!p1 $0x0  }
0x14: {  	s2 =	sld [smem:$0x3F93];
	s0 =	simm.s32 @p1 $0x1  }
0x15: {  	[smem:$0x3FB0] =	sst s0;
	s0 =	simm.s32 @!p2 $0x0  }
0x16: {  	s3 =	sld [smem:$0x3FDB];
	s0 =	simm.s32 @p2 $0x1  }
0x17: {  	s4 =	simm.s32 $0x1BF5;
	[smem:$0x3FB2] =	sst s0  }
0x18: {  	s0 =	sld [smem:$0x3F95];
	_ =	swait.ge [sflag:s4], $0x0  }
0x19: {  	s7 =	sld [smem:$0x3F96]  }
0x1a: {  	s8 =	sadd.s32 $0xFFFFE003, lr  }
0x1b: {  	s9 =	sadd.s32 $0xFFFFFEF7, lr;
	s5 =	simm.s32 $0xFFFFFFFF;
	p2 =	slt.u32 s8, $0xFFFFF086  }
0x1c: {  	p1 =	slt.u32 s9, $0xF7A;
	s5 =	simm.s32 @!p2 $0x0  }
0x1d: {  	s5 =	simm.s32 @p1 $0x1;
	p0 =	seq.s32 s7, s2  }
0x1e: {  	s7 =	smul.u32 @!p0 $0xF7A, s2;
	p2 =	seq.s32 @!p0 s5, $0x0  }
0x1f: {  	s9 =	smul.u32 $0xF7A, s1;
	s8 =	simm.s32 @!p0 $0x1BF5;
	p2 =	por !p2, p0  }
0x20: {  	[sflag:s8] =	ssyncset.s32 @!p0 $0xFFFFF086;
	s6 =	sadd.s32 @!p0 s3, s7;
	s7 =	simm.s32 @!p0 $0x108  }
0x21: {  	s3 =	sadd.s32 s3, s9;
	s6 =	sadd.s32 @!p0 $0x88, s6;
	s7 =	simm.s32 @p2 $0x1082  }
0x22: {  	[simem:s7], [sflag:s8] =	dma.local @!p0 [hbm:s6], $0xF7A  }
0x23: {  	s9 =	sor.u32 $0xD0000000, s2;
	s6 =	simm.s32 $0x108;
	_ =	swait.ge @!p0 [sflag:s8], $0x0  }
0x24: {  	s3 =	sadd.s32 $0x88, s3;
	s6 =	simm.s32 @!p1 $0x1082;
	[sflag:s4] =	ssyncset.s32 $0xFFFFF086  }
0x25: {  	[simem:s6], [sflag:s4] =	dma.local [hbm:s3], $0xF7A  }
0x26: {  	[smem:$0x3F96] =	sst s1;
	(tag) =	ssettag s2;
	_ =	strace s9  }
0x27: {  	s1 =	sld [smem:$0x3FA6]  }
0x28: {  	s2 =	sld [smem:$0x3FA7]  }
0x29: {  	s4 =	sld [smem:$0x3FA9]  }
0x2a: {  	p0 =	seq.s32 s5, $0x0;
	s5 =	sld [smem:$0x3FAA]  }
0x2b: {  	s6 =	sld [smem:$0x3FAB]  }
0x2c: {  	s7 =	sld [smem:$0x3FAC]  }
0x2d: {  	s3 =	simm.s32 $0x108;
	s8 =	sld [smem:$0x3FAD]  }
0x2e: {  	s3 =	simm.s32 @!p0 $0x1082;
	s9 =	sld [smem:$0x3FAE]  }
0x2f: {  	lr =	sadd.s32 s0, s3;
	s0 =	sld [smem:$0x3FA5]  }
0x30: {  	s3 =	sld [smem:$0x3FA8]  }
0x31: {  	[smem:$0x3FB1] =	sst s10  }
0x32: {  	s10 =	sld [smem:$0x3FAF];
	_ =	sdelay $0x3  }
0x33: {  	p0 =	seq.s32 s10, $0x1;
	s10 =	sld [smem:$0x3FB1];
	_ =	sdelay $0x3  }
0x34: {  	[smem:$0x3FB1] =	sst s10  }
0x35: {  	s10 =	sld [smem:$0x3FB0];
	_ =	sdelay $0x3  }
0x36: {  	p1 =	seq.s32 s10, $0x1;
	s10 =	sld [smem:$0x3FB1];
	_ =	sdelay $0x3  }
0x37: {  	[smem:$0x3FB1] =	sst s10  }
0x38: {  	s10 =	sld [smem:$0x3FB2]  }
0x39: {  	_ = 	snop;
	(pc) =	sbr.ind lr, $3  }
0x3a: {  	_ = 	snop  }
0x3b: {  	_ = 	snop  }
0x3c: {  	p2 =	seq.s32 s10, $0x1;
	s10 =	sld [smem:$0x3FB1]  }
0x3d: {  	_ =	shalt  }
0x3e: {  	_ =	shalt  }
0x3f: {  	_ =	shalt  }
0x40: {  	_ =	shalt  }
0x41: {  	_ =	shalt  }
0x42: {  	_ =	shalt  }
0x43: {  	_ =	shalt  }
0x44: {  	_ =	shalt  }
0x45: {  	_ =	shalt  }
0x46: {  	_ =	shalt  }
0x47: {  	_ =	shalt  }
0x48: {  	_ =	shalt  }
0x49: {  	_ =	shalt  }
0x4a: {  	_ =	shalt  }
0x4b: {  	_ =	shalt  }
0x4c: {  	_ =	shalt  }
0x4d: {  	_ =	shalt  }
0x4e: {  	_ =	shalt  }
0x4f: {  	_ =	shalt  }
0x50: {  	_ =	shalt  }
0x51: {  	_ =	shalt  }
0x52: {  	_ =	shalt  }
0x53: {  	_ =	shalt  }
0x54: {  	_ =	shalt  }
0x55: {  	_ =	shalt  }
0x56: {  	_ =	shalt  }
0x57: {  	_ =	shalt  }
0x58: {  	_ =	shalt  }
0x59: {  	_ =	shalt  }
0x5a: {  	_ =	shalt  }
0x5b: {  	_ =	shalt  }
0x5c: {  	_ =	shalt  }
0x5d: {  	_ =	shalt  }
0x5e: {  	_ =	shalt  }
0x5f: {  	_ =	shalt  }
0x60: {  	_ =	shalt  }
0x61: {  	_ =	shalt  }
0x62: {  	_ =	shalt  }
0x63: {  	_ =	shalt  }
0x64: {  	_ =	shalt  }
0x65: {  	_ =	shalt  }
0x66: {  	_ =	shalt  }
0x67: {  	_ =	shalt  }
0x68: {  	_ =	shalt  }
0x69: {  	_ =	shalt  }
0x6a: {  	_ =	shalt  }
0x6b: {  	_ =	shalt  }
0x6c: {  	_ =	shalt  }
0x6d: {  	_ =	shalt  }
0x6e: {  	_ =	shalt  }
0x6f: {  	_ =	shalt  }
0x70: {  	_ =	shalt  }
0x71: {  	_ =	shalt  }
0x72: {  	_ =	shalt  }
0x73: {  	_ =	shalt  }
0x74: {  	_ =	shalt  }
0x75: {  	_ =	shalt  }
0x76: {  	_ =	shalt  }
0x77: {  	_ =	shalt  }
0x78: {  	_ =	shalt  }
0x79: {  	_ =	shalt  }
0x7a: {  	_ =	shalt  }
0x7b: {  	_ =	shalt  }
0x7c: {  	_ =	shalt  }
0x7d: {  	_ =	shalt  }
0x7e: {  	_ =	shalt  }
0x7f: {  	_ =	shalt  }
0x80: {  	_ =	shalt  }
0x81: {  	_ =	shalt  }
0x82: {  	_ =	shalt  }
0x83: {  	_ =	shalt  }
0x84: {  	_ =	shalt  }
0x85: {  	_ =	shalt  }
0x86: {  	_ =	shalt  }
0x87: {  	_ =	shalt  }
.Lfunc_end0:
.L_simem_size_0:
called_computation_lowered:
.L_overlay_start_0:
0x88: {  	s2 =	sld [smem:$0x3FD9]  }
0x89: {  	s3 =	sld [smem:$0x3FFE];
	_ =	sdelay $0x1  }
0x8a: {  	s1 =	srdreg.scid  }
0x8b: {  	s0 =	sand.u32 $0x1, s1  }
0x8c: {  	s17 =	sshll.u32 s0, $0xA;
	s2 =	sadd.s32 s3, s2  }
0x8d: {  	s2 =	sadd.s32 s2, s17  }
0x8e: {  	[smem:$0x3FBD] =	sst s2  }
0x8f: {  	_ = 	snop  }
0x90: {  	s2 =	sld [smem:$0x3FD0];
	(tm) =	ssettm $0x1  }
0x91: {  	s18 =	sld [smem:$0x3FFB];
	_ =	sdelay $0x3  }
0x92: {  	_ =	strace s18  }
0x93: {  	s3 =	sld [smem:$0x3FFC];
	_ =	sdelay $0x3  }
0x94: {  	_ =	strace s3  }
0x95: {  	s3 =	sld [smem:$0x3FFD];
	_ =	sdelay $0x3  }
0x96: {  	_ =	strace s3  }
0x97: {  	_ =	strace $0x8FFFFFFF  }
0x98: {  	s19 =	sld [smem:$0x3FDB];
	_ =	sdelay $0x1  }
0x99: {  	s4 =	simm.s32 $_scs_section_size  }
0x9a: {  	s5 =	simm.s32 $_size__tile_overlayer_lowered;
	s6 =	simm.s32 $_tile_overlayer_lowered  }
0x9b: {  	s22 =	simm.s32 $0x1BFF;
	s21 =	sshll.u32 s6, $0x1;
	s3 =	sadd.s32 s4, s19  }
0x9c: {  	s7 =	simm.s32 $0x0;
	s20 =	sshll.u32 s5, $0x1;
	s5 =	sadd.s32 s21, s3  }
0x9d: {  	[timem:s7], [sflag:s22] =	dma.local [hbm:s5], s20  }
0x9e: {  	_ =	swait.ge [sflag:s22], s20  }
0x9f: {  	s4 =	ssub.s32 $0x0, s20;
	[sflag:s22] =	ssyncset.done $0x0  }
0xa0: {  	[sflag:s22] =	ssyncadd.s32 s4;
	_ =	sdelay $0x1  }
0xa1: {  	s23 =	simm.s32 $0x1B8B  }
0xa2: {  	_ =	swait.ge [sflag:s23], $0x1  }
0xa3: {  	[sflag:s23] =	ssyncset.done $0x0  }
0xa4: {  	s25 =	simm.s32 $0x1B8E;
	s24 =	sld [smem:$0x3FFE];
	[sflag:s23] =	ssyncadd.s32 $0xFFFFFFFF  }
0xa5: {  	s26 =	simm.s32 $execute0_lowered;
	[smem:$0x3FD2] =	sst s25  }
0xa6: {  	s5 =	sshll.u32 s26, $0x1;
	_ =	strace $0x80000046;
	[dreg:$0x1] =	wrdreg $0xFFFFFFFF  }
0xa7: {  	s28 =	simm.s32 $_size_execute0_lowered;
	s3 =	sadd.s32 s3, s5;
	[dreg:$0x0] =	wrdreg $0x0  }
0xa8: {  	s5 =	sshll.u32 s28, $0x1;
	[dreg:$0x2] =	wrdreg s3  }
0xa9: {  	[dreg:$0x3] =	wrdreg s5  }
0xaa: {  	[dreg:$0x4] =	wrdreg $0xC0  }
0xab: {  	_ =	task [dreg:s7], $0x5FFFF  }
0xac: {  	[dreg:$0x1] =	wrdreg $0xFFFFFFFF  }
0xad: {  	[dreg:$0x0] =	wrdreg $0x60  }
0xae: {  	[dreg:$0x2] =	wrdreg s24  }
0xaf: {  	[dreg:$0x3] =	wrdreg s2  }
0xb0: {  	[dreg:$0x4] =	wrdreg $0x9  }
0xb1: {  	_ =	task.clear_ibuf [dreg:s7], $0x5FFFF;
	_ =	strace $0x90000046  }
0xb2: {  	s29 =	simm.s32 $0x9;
	_ =	strace $0x80000048  }
0xb3: {  	_ =	swait.ge [sflag:s29], $0x1  }
0xb4: {  	[sflag:s29] =	ssyncadd.s32 $0xFFFFFFFF  }
0xb5: {  	_ =	strace $0x90000048  }
0xb6: {  	_ =	sfence  }
0xb7: {  	s30 =	sld [smem:$0x0];
	_ =	sdelay $0x2  }
0xb8: {  	s31 =	sshll.u32 s1, $0xD;
	s1 =	sshrl.u32 s1, $0x2  }
0xb9: {  	s3 =	sand.u32 $0x4000, s31;
	s1 =	sadd.s32 s1, s30  }
0xba: {  	s0 =	sor.u32 s3, s0;
	s1 =	sshll.u32 s1, $0x11  }
0xbb: {  	s0 =	sor.u32 s1, s0  }
0xbc: {  	s0 =	sadd.s32 $0x8F2B, s0  }
0xbd: {  	[sflag:s0] =	ssyncadd.remote.s32 $0x1  }
0xbe: {  	_ =	sfence.sel $0xFFFF  }
0xbf: {  	[dreg:$0x0] =	wrdreg $0xFFFFFFFF;
	(pc) =	sbr.abs _section_cstart, $3  }
0xc0: {  	[dreg:$0x1] =	wrdreg $0xFFFFFFFF  }
0xc1: {  	_ =	task.clear_ibuf [dreg:s7], $0x2FFFF;
	_ =	strace $0x9FFFFFFF  }
0xc2: {  	(tm) =	ssettm $0x7FFFFFFF  }
0xc3: {  	_ =	shalt  }
tec
execute0_lowered:
.L_overlay_start_1:
0x0: {  	(tag) =	ssettag $0x1  }
0x1: {  	s8 =	rddreg [dreg:$0x0]  }
0x2: {  	s1 =	rddreg [dreg:$0x1]  }
0x3: {  	s0 =	rddreg [dreg:$0x2];
	s3 =	simm.s32 $0x0  }
0x4: {  	s4 =	srdreg.scid;
	s2 =	stileid.u32;
	s13 =	simm.s32 $0x7680  }
0x5: {  	s14 =	simm.s32 $0x9E00;
	s15 =	simm.s32 $0x9E80;
	s16 =	simm.s32 $0x1  }
0x6: {  	s17 =	simm.s32 $0xC600;
	s18 =	simm.s32 $0x2;
	s19 =	simm.s32 $0x0  }
0x7: {  	[smem:$0x7FF] =	sst s3;
	s7 =	sand.u32 $0x1, s4;
	s6 =	sshll.u32 s2, $0x1  }
0x8: {  	s4 =	sadd.s32 $0xC200, s8;
	s5 =	sadd.s32 $0xC800, s8;
	_ =	strace $0x80000047  }
0x9: {  	s9 =	sor.u32 s7, s6;
	s6 =	sadd.s32 $0xCE00, s8;
	s11 =	ssub.s32 $0x2, s7  }
0xa: {  	s10 =	smul.u32 $0x4E2, s9;
	s9 =	sshll.u32 s9, $0x4;
	s12 =	sshrl.u32 s11, $0x1  }
0xb: {  	s7 =	sadd.s32 $0xD400, s8;
	s9 =	sadd.s32 s9, s8;
	s11 =	ssub.s32 s11, s12  }
0xc: {  	s12 =	simm.s32 $0x4F00;
	s10 =	sadd.s32 s10, s8;
	s9 =	sadd.s32 $0xDA00, s9  }
0xd: {  	s8 =	sadd.s32 $0x2400, s10;
	s10 =	smax.u32 s11, $0x1;
	s11 =	simm.s32 $0x2780  }
.LBB2_1:
0xe: {  	[tilespmem:s3], [sflag:$0x1] =	stream.linear.gather [hbm4b:s4+s3], $0x2780, $0x38;
	[tilespmem:$0xC680] =	vst v63  }
0xf: {  	_ = 	snop  }
0x10: {  	[tilespmem:s11], [sflag:$0x1] =	stream.linear.gather [hbm4b:s5+s3], $0x2780, $0x38;
	[tilespmem:$0xC680] =	vst v63  }
0x11: {  	_ = 	snop  }
0x12: {  	[tilespmem:s12], [sflag:$0x1] =	stream.linear.gather [hbm4b:s6+s3], $0x2780, $0x38;
	[tilespmem:$0xC680] =	vst v63  }
0x13: {  	_ = 	snop  }
0x14: {  	[tilespmem:s13], [sflag:$0x1] =	stream.linear.gather [hbm4b:s7+s3], $0x2780, $0x38;
	[tilespmem:$0xC680] =	vst v63  }
0x15: {  	_ = 	snop  }
0x16: {  	[tilespmem:s14], [sflag:$0x1] =	stream.linear.gather [hbm4b:s1+s3], $0x80, $0x38;
	[tilespmem:$0xC680] =	vst v63  }
0x17: {  	_ = 	snop  }
0x18: {  	[tilespmem:s15], [sflag:$0x1] =	stream.linear.gather [hbm4b:s8+s3], $0x2710, $0x38;
	[tilespmem:$0xC680] =	vst v63  }
0x19: {  	_ =	swait.ge [sflag:s16], $0x2780  }
0x1a: {  	[sflag:s16] =	ssyncset.done $0x0  }
0x1b: {  	[sflag:s16] =	ssyncadd.s32 $0xFFFFD880  }
0x1c: {  	_ =	swait.ge [sflag:s16], $0x2780  }
0x1d: {  	[sflag:s16] =	ssyncset.done $0x0  }
0x1e: {  	[sflag:s16] =	ssyncadd.s32 $0xFFFFD880  }
0x1f: {  	_ =	swait.ge [sflag:s16], $0x2780  }
0x20: {  	[sflag:s16] =	ssyncset.done $0x0  }
0x21: {  	[sflag:s16] =	ssyncadd.s32 $0xFFFFD880  }
0x22: {  	_ =	swait.ge [sflag:s16], $0x2780  }
0x23: {  	[sflag:s16] =	ssyncset.done $0x0  }
0x24: {  	[sflag:s16] =	ssyncadd.s32 $0xFFFFD880  }
0x25: {  	_ =	swait.ge [sflag:s16], $0x80  }
0x26: {  	[sflag:s16] =	ssyncset.done $0x0  }
0x27: {  	[sflag:s16] =	ssyncadd.s32 $0xFFFFFF80  }
0x28: {  	_ =	swait.ge [sflag:s16], $0x2710  }
0x29: {  	[sflag:s16] =	ssyncset.done $0x0  }
0x2a: {  	s20 =	simm.s32 $0x9EC0;
	[sflag:s16] =	ssyncadd.s32 $0xFFFFD8F0  }
0x2b: {  	v0 =	vld [tilespmem:s20+$0x30];
	_ =	sdelay $0x1  }
0x2c: {  	v3 =	vld [tilespmem:s20+$0xFFFFFFC0];
	_ =	sdelay $0x1  }
0x2d: {  	v13 =	vld [tilespmem:s20+$0xFFFFFFF0]  }
0x2e: {  	v1 =	vand.u32 $0x7, v0  }
0x2f: {  	v2 =	vshrl.u32 v0, $0x3;
	v0 =	vshrl.u32 v0, $0x11  }
0x30: {  	v6 =	vld [tilespmem:s20+$0xFFFFFFD0];
	v7 =	vshrl.u32 v3, $0x11  }
0x31: {  	v9 =	vld [tilespmem:s20+$0x0];
	v8 =	vshrl.u32 v3, $0x3;
	v3 =	vand.u32 $0x7, v3  }
0x32: {  	v10 =	vld [tilespmem:s20+$0xFFFFFFE0];
	v29 =	vshrl.u32 v13, $0x11  }
0x33: {  	v2 =	vand.u32 $0x3FFF, v2;
	v1 =	vld.idx.msk [tilespmem:v1+s14+$0x0], $0xffff  }
0x34: {  	v0 =	vld.idx.msk [tilespmem:v0+s13+$0x0], $0xffff  }
0x35: {  	v14 =	vld.idx.msk [tilespmem:v7+s13+$0x0], $0xffff  }
0x36: {  	v8 =	vand.u32 $0x3FFF, v8;
	v16 =	vld.idx.msk [tilespmem:v3+s14+$0x0], $0xffff  }
0x37: {  	v29 =	vld.idx.msk [tilespmem:v29+s13+$0x0], $0xffff  }
0x38: {  	v19 =	vshrl.u32 v9, $0x3;
	v4 =	vld.idx.msk [tilespmem:v2+s3+$0x0], $0xffff  }
0x39: {  	v19 =	vand.u32 $0x3FFF, v19;
	v5 =	vld.idx.msk [tilespmem:v2+s11+$0x0], $0xffff  }
0x3a: {  	v11 =	vld.idx.msk [tilespmem:v2+s12+$0x0], $0xffff;
	v2 =	vshrl.u32 v6, $0x3  }
0x3b: {  	v15 =	vld.idx.msk [tilespmem:v8+s12+$0x0], $0xffff;
	v12 =	vand.u32 $0x3FFF, v2  }
0x3c: {  	v17 =	vshrl.u32 v10, $0x3;
	v23 =	vshrl.u32 v13, $0x3;
	v20 =	vld.idx.msk [tilespmem:v8+s3+$0x0], $0xffff;
	v2 =	vshrl.u32 v6, $0x11  }
0x3d: {  	v24 =	vand.u32 $0x7, v6;
	v13 =	vand.u32 $0x7, v13;
	v33 =	vand.u32 $0x7, v9;
	v8 =	vld.idx.msk [tilespmem:v8+s11+$0x0], $0xffff  }
0x3e: {  	v17 =	vand.u32 $0x3FFF, v17;
	v7 =	vshrl.u32 v9, $0x11;
	v32 =	vld.idx.msk [tilespmem:v19+s11+$0x0], $0xffff;
	v6 =	vand.u32 $0x7, v10  }
0x3f: {  	v25 =	vld.idx.msk [tilespmem:v19+s3+$0x0], $0xffff;
	v21 =	vshll.u32 v0, $0x10;
	v26 =	vshll.u32 v14, $0x10;
	v3 =	vshll.u32 v4, $0x10  }
0x40: {  	v18 =	vshll.u32 v5, $0x10;
	v4 =	vmul.f32 v0, v4;
	v22 =	vld.idx.msk [tilespmem:v12+s12+$0x0], $0xffff;
	v0 =	vmul.f32 v0, v3  }
0x41: {  	v3 =	vmul.f32 v21, v18;
	v18 =	vld.idx.msk [tilespmem:v2+s13+$0x0], $0xffff;
	v2 =	vmul.f32 v21, v5;
	v21 =	vshrl.u32 v10, $0x11  }
0x42: {  	v27 =	vmul.f32 v14, v20;
	v20 =	vshll.u32 v20, $0x10;
	v30 =	vmul.f32 v26, v8;
	v28 =	vld.idx.msk [tilespmem:v12+s3+$0x0], $0xffff  }
0x43: {  	v8 =	vshll.u32 v8, $0x10;
	v63 =	vshll.u32 v32, $0x10;
	v12 =	vld.idx.msk [tilespmem:v12+s11+$0x0], $0xffff;
	v4 =	vadd.f32 v2, v4  }
0x44: {  	v8 =	vmul.f32 v26, v8;
	v0 =	vadd.f32 v3, v0;
	v3 =	vand.u32 $0x3FFF, v23;
	v23 =	vld.idx.msk [tilespmem:v7+s13+$0x0], $0xffff  }
0x45: {  	v7 =	vshll.u32 v11, $0x10;
	v2 =	vld.idx.msk [tilespmem:v17+s12+$0x0], $0xffff;
	v4 =	vadd.f32 v11, v4;
	v11 =	vmul.f32 v14, v20  }
0x46: {  	v5 =	vimm.f32 $0.0e+00;
	v10 =	vshll.u32 v1, $0x10;
	v0 =	vadd.f32 v7, v0;
	v7 =	vld.idx.msk [tilespmem:v21+s13+$0x0], $0xffff  }
0x47: {  	v20 =	vshll.u32 v18, $0x10;
	v21 =	vmul.f32 v18, v28;
	v11 =	vadd.f32 v8, v11;
	v8 =	vld.idx.msk [tilespmem:v17+s3+$0x0], $0xffff  }
0x48: {  	v0 =	vmul.f32 v10, v0;
	v10 =	vadd.f32 v30, v27;
	v1 =	vmul.f32 v1, v4;
	v17 =	vld.idx.msk [tilespmem:v17+s11+$0x0], $0xffff  }
0x49: {  	v4 =	vshll.u32 v15, $0x10;
	v27 =	vshll.u32 v16, $0x10;
	v9 =	vmul.f32 v20, v12;
	v26 =	vld.idx.msk [tilespmem:v3+s3+$0x0], $0xffff  }
0x4a: {  	v12 =	vshll.u32 v12, $0x10;
	v14 =	vld.idx.msk [tilespmem:v3+s11+$0x0], $0xffff;
	v34 =	vshll.u32 v23, $0x10;
	v10 =	vadd.f32 v15, v10  }
0x4b: {  	v11 =	vadd.f32 v4, v11;
	v4 =	vshll.u32 v28, $0x10;
	v15 =	vld.idx.msk [tilespmem:v24+s14+$0x0], $0xffff;
	v9 =	vadd.f32 v9, v21  }
0x4c: {  	v21 =	vshll.u32 v25, $0x10;
	v25 =	vmul.f32 v23, v25;
	v18 =	vmul.f32 v18, v4;
	v4 =	vld.idx.msk [tilespmem:v3+s12+$0x0], $0xffff  }
0x4d: {  	v30 =	vshll.u32 v22, $0x10;
	v38 =	vmul.f32 v34, v32;
	v3 =	vld.idx.msk [tilespmem:v13+s14+$0x0], $0xffff;
	v13 =	vmul.f32 v20, v12  }
0x4e: {  	v12 =	vshll.u32 v2, $0x10;
	v20 =	vshll.u32 v29, $0x10;
	v21 =	vmul.f32 v23, v21  }
0x4f: {  	v36 =	vmul.f32 v16, v10;
	v16 =	vadd.f32 v22, v9;
	v28 =	vshll.u32 v8, $0x10  }
0x50: {  	v10 =	vld [tilespmem:s20+$0x10];
	v37 =	vadd.f32 v13, v18;
	v31 =	vshll.u32 v17, $0x10;
	v35 =	vshll.u32 v26, $0x10  }
0x51: {  	v22 =	vshll.u32 v14, $0x10;
	v9 =	vmul.f32 v29, v26;
	v26 =	vmul.f32 v27, v11  }
0x52: {  	v27 =	vshll.u32 v7, $0x10;
	v24 =	vmul.f32 v7, v28;
	v28 =	vshll.u32 v15, $0x10  }
0x53: {  	v23 =	vld.idx.msk [tilespmem:v19+s12+$0x0], $0xffff;
	v18 =	vmul.f32 v29, v35;
	v32 =	vadd.f32 v30, v37;
	v17 =	vmul.f32 v27, v17  }
0x54: {  	v29 =	vadd.f32 v38, v25;
	v25 =	vld.idx.msk [tilespmem:v33+s14+$0x0], $0xffff;
	v33 =	vmul.f32 v34, v63;
	v13 =	vshll.u32 v4, $0x10  }
0x55: {  	s21 =	simm.s32 $0x0;
	v19 =	vld [tilespmem:s20+$0x20];
	v11 =	vshll.u32 v3, $0x10;
	v30 =	vadd.f32 v26, v36;
	v26 =	vshrl.u32 v10, $0x11  }
.LBB2_2:
0x56: {  	s21 =	sadd.s32 $0x8, s21;
	v28 =	vmul.f32 v28, v32;
	v6 =	vld.idx.msk [tilespmem:v6+s14+$0x0], $0xffff;
	v27 =	vmul.f32 v27, v31;
	v31 =	vshrl.u32 v10, $0x3;
	s20 =	sadd.s32 $0x80, s20  }
0x57: {  	v14 =	vmul.f32 v20, v14;
	v20 =	vmul.f32 v20, v22;
	v32 =	vld [tilespmem:s20+$0x30];
	p0 =	slt.u32 s21, $0x268;
	v21 =	vadd.f32 v33, v21  }
0x58: {  	v22 =	vadd.f32 v27, v24;
	v24 =	vadd.f32 v23, v29;
	v27 =	vand.u32 $0x3FFF, v31  }
0x59: {  	v15 =	vmul.f32 v15, v16;
	v5 =	vadd.f32 v30, v5;
	v16 =	vshll.u32 v23, $0x10  }
0x5a: {  	v16 =	vadd.f32 v16, v21;
	v21 =	vshrl.u32 v19, $0x11;
	v23 =	vshrl.u32 v19, $0x3  }
0x5b: {  	v7 =	vmul.f32 v7, v8;
	v8 =	vmul.f32 v25, v24;
	v24 =	vshll.u32 v25, $0x10  }
0x5c: {  	v12 =	vadd.f32 v12, v22;
	v16 =	vmul.f32 v24, v16;
	v25 =	vand.u32 $0x7, v32;
	v22 =	vld.idx.msk [tilespmem:v26+s13+$0x0], $0xffff  }
0x5d: {  	v15 =	vadd.f32 v28, v15;
	v18 =	vadd.f32 v20, v18;
	v19 =	vand.u32 $0x7, v19;
	v20 =	vld.idx.msk [tilespmem:v27+s3+$0x0], $0xffff  }
0x5e: {  	v7 =	vadd.f32 v17, v7;
	v17 =	vand.u32 $0x3FFF, v23;
	v8 =	vadd.f32 v16, v8;
	v16 =	vld.idx.msk [tilespmem:v27+s11+$0x0], $0xffff  }
0x5f: {  	v10 =	vand.u32 $0x7, v10;
	v13 =	vadd.f32 v13, v18;
	v23 =	vshll.u32 v6, $0x10;
	v18 =	vld.idx.msk [tilespmem:v21+s13+$0x0], $0xffff  }
0x60: {  	v5 =	vadd.f32 v15, v5;
	v7 =	vadd.f32 v2, v7;
	v21 =	vshrl.u32 v32, $0x3;
	v15 =	vld.idx.msk [tilespmem:v27+s12+$0x0], $0xffff  }
0x61: {  	v9 =	vadd.f32 v14, v9;
	v11 =	vmul.f32 v11, v13;
	v21 =	vand.u32 $0x3FFF, v21;
	v2 =	vld.idx.msk [tilespmem:v25+s14+$0x0], $0xffff  }
0x62: {  	v13 =	vshrl.u32 v32, $0x11;
	v12 =	vmul.f32 v23, v12;
	v14 =	vshll.u32 v22, $0x10;
	v19 =	vld.idx.msk [tilespmem:v19+s14+$0x0], $0xffff  }
0x63: {  	v6 =	vmul.f32 v6, v7;
	v7 =	vmul.f32 v22, v20;
	v20 =	vshll.u32 v20, $0x10;
	v23 =	vld.idx.msk [tilespmem:v17+s3+$0x0], $0xffff  }
0x64: {  	v4 =	vadd.f32 v4, v9;
	v9 =	vld.idx.msk [tilespmem:v10+s14+$0x0], $0xffff;
	v10 =	vmul.f32 v14, v16;
	v16 =	vshll.u32 v16, $0x10  }
0x65: {  	v20 =	vmul.f32 v22, v20;
	v22 =	vshll.u32 v18, $0x10;
	v14 =	vmul.f32 v14, v16;
	v16 =	vld.idx.msk [tilespmem:v17+s11+$0x0], $0xffff  }
0x66: {  	v3 =	vmul.f32 v3, v4;
	v6 =	vadd.f32 v12, v6;
	v24 =	vld.idx.msk [tilespmem:v21+s3+$0x0], $0xffff;
	v4 =	vadd.f32 v10, v7  }
0x67: {  	v7 =	vld.idx.msk [tilespmem:v21+s11+$0x0], $0xffff;
	v10 =	vadd.f32 v14, v20  }
0x68: {  	v5 =	vadd.f32 v6, v5;
	v6 =	vshll.u32 v15, $0x10;
	v12 =	vld.idx.msk [tilespmem:v13+s13+$0x0], $0xffff;
	v4 =	vadd.f32 v15, v4  }
0x69: {  	v3 =	vadd.f32 v11, v3;
	v11 =	vshll.u32 v23, $0x10;
	v6 =	vadd.f32 v6, v10;
	v10 =	vld.idx.msk [tilespmem:v17+s12+$0x0], $0xffff  }
0x6a: {  	v14 =	vmul.f32 v18, v23;
	v13 =	vld.idx.msk [tilespmem:v21+s12+$0x0], $0xffff;
	v4 =	vmul.f32 v9, v4;
	v9 =	vshll.u32 v9, $0x10  }
0x6b: {  	v3 =	vadd.f32 v3, v5;
	v15 =	vld [tilespmem:s20+$0xFFFFFFC0];
	v5 =	vmul.f32 v9, v6;
	v6 =	vshll.u32 v16, $0x10  }
0x6c: {  	v11 =	vmul.f32 v18, v11;
	v9 =	vshll.u32 v24, $0x10;
	v6 =	vmul.f32 v22, v6  }
0x6d: {  	v3 =	vadd.f32 v8, v3;
	v8 =	vmul.f32 v22, v16;
	v18 =	vshll.u32 v7, $0x10;
	v17 =	vld [tilespmem:s20+$0xFFFFFFD0]  }
0x6e: {  	v21 =	vshll.u32 v19, $0x10;
	v16 =	vshll.u32 v12, $0x10;
	v20 =	vmul.f32 v12, v24  }
0x6f: {  	v8 =	vadd.f32 v8, v14;
	v7 =	vmul.f32 v16, v7;
	v6 =	vadd.f32 v6, v11  }
0x70: {  	v22 =	vshll.u32 v10, $0x10;
	v11 =	vshrl.u32 v15, $0x11;
	v14 =	vshrl.u32 v15, $0x3  }
0x71: {  	v15 =	vand.u32 $0x7, v15;
	v6 =	vadd.f32 v22, v6;
	v14 =	vand.u32 $0x3FFF, v14  }
0x72: {  	v9 =	vmul.f32 v12, v9;
	v22 =	vshrl.u32 v17, $0x11;
	v23 =	vshrl.u32 v17, $0x3;
	v24 =	vld [tilespmem:s20+$0x0]  }
0x73: {  	v8 =	vadd.f32 v10, v8;
	v12 =	vand.u32 $0x7, v17;
	v17 =	vand.u32 $0x3FFF, v23;
	v23 =	vld [tilespmem:s20+$0xFFFFFFE0]  }
0x74: {  	v4 =	vadd.f32 v5, v4;
	v16 =	vmul.f32 v16, v18;
	v5 =	vmul.f32 v21, v6;
	v10 =	vld [tilespmem:s20+$0xFFFFFFF0]  }
0x75: {  	v0 =	vadd.f32 v0, v1;
	v7 =	vadd.f32 v7, v20;
	v6 =	vmul.f32 v19, v8;
	v11 =	vld.idx.msk [tilespmem:v11+s13+$0x0], $0xffff  }
0x76: {  	v3 =	vadd.f32 v4, v3;
	v1 =	vadd.f32 v16, v9;
	v8 =	vshll.u32 v13, $0x10;
	v18 =	vld.idx.msk [tilespmem:v15+s14+$0x0], $0xffff  }
0x77: {  	v5 =	vadd.f32 v5, v6;
	v4 =	vshrl.u32 v24, $0x11;
	v9 =	vshrl.u32 v24, $0x3  }
0x78: {  	v15 =	vld.idx.msk [tilespmem:v14+s12+$0x0], $0xffff;
	v16 =	vshrl.u32 v23, $0x11;
	v19 =	vshrl.u32 v23, $0x3;
	v6 =	vand.u32 $0x7, v23  }
0x79: {  	v3 =	vadd.f32 v5, v3;
	v20 =	vld.idx.msk [tilespmem:v14+s3+$0x0], $0xffff;
	v19 =	vand.u32 $0x3FFF, v19;
	v21 =	vshrl.u32 v10, $0x3  }
0x7a: {  	v1 =	vadd.f32 v8, v1;
	v25 =	vand.u32 $0x7, v10;
	v23 =	vld.idx.msk [tilespmem:v17+s12+$0x0], $0xffff;
	v21 =	vand.u32 $0x3FFF, v21  }
0x7b: {  	v8 =	vshll.u32 v2, $0x10;
	v26 =	vand.u32 $0x3FFF, v9;
	v5 =	vadd.f32 v0, v3;
	v22 =	vld.idx.msk [tilespmem:v22+s13+$0x0], $0xffff  }
0x7c: {  	v7 =	vadd.f32 v13, v7;
	v0 =	vmul.f32 v8, v1;
	v9 =	vshll.u32 v11, $0x10;
	v3 =	vld.idx.msk [tilespmem:v14+s11+$0x0], $0xffff;
	_ =	sdelay $0x1  }
0x7d: {  	v1 =	vmul.f32 v2, v7;
	v27 =	vld.idx.msk [tilespmem:v4+s13+$0x0], $0xffff  }
0x7e: {  	v4 =	vmul.f32 v11, v20;
	v7 =	vshll.u32 v20, $0x10;
	v2 =	vld.idx.msk [tilespmem:v19+s12+$0x0], $0xffff  }
0x7f: {  	v8 =	vmul.f32 v11, v7;
	v11 =	vshll.u32 v15, $0x10;
	v28 =	vld.idx.msk [tilespmem:v26+s3+$0x0], $0xffff  }
0x80: {  	v10 =	vshrl.u32 v10, $0x11;
	v20 =	vshll.u32 v22, $0x10;
	v13 =	vld.idx.msk [tilespmem:v17+s3+$0x0], $0xffff  }
0x81: {  	v29 =	vshll.u32 v18, $0x10;
	v14 =	vmul.f32 v9, v3;
	v3 =	vshll.u32 v3, $0x10;
	v7 =	vld.idx.msk [tilespmem:v16+s13+$0x0], $0xffff  }
0x82: {  	v3 =	vmul.f32 v9, v3;
	v9 =	vld.idx.msk [tilespmem:v21+s3+$0x0], $0xffff  }
0x83: {  	v4 =	vadd.f32 v14, v4;
	v16 =	vld.idx.msk [tilespmem:v17+s11+$0x0], $0xffff  }
0x84: {  	v3 =	vadd.f32 v3, v8;
	v8 =	vld.idx.msk [tilespmem:v19+s3+$0x0], $0xffff  }
0x85: {  	v17 =	vadd.f32 v15, v4;
	v30 =	vld.idx.msk [tilespmem:v10+s13+$0x0], $0xffff  }
0x86: {  	v32 =	vshll.u32 v23, $0x10;
	v11 =	vadd.f32 v11, v3;
	v3 =	vshll.u32 v13, $0x10;
	v14 =	vld.idx.msk [tilespmem:v21+s11+$0x0], $0xffff  }
0x87: {  	v10 =	vmul.f32 v22, v13;
	v13 =	vmul.f32 v22, v3;
	v4 =	vld.idx.msk [tilespmem:v21+s12+$0x0], $0xffff  }
0x88: {  	v33 =	vand.u32 $0x7, v24;
	v35 =	vshll.u32 v27, $0x10;
	v34 =	vld.idx.msk [tilespmem:v26+s11+$0x0], $0xffff  }
0x89: {  	v21 =	vmul.f32 v20, v16;
	v16 =	vshll.u32 v16, $0x10;
	v3 =	vld.idx.msk [tilespmem:v25+s14+$0x0], $0xffff;
	v25 =	vshll.u32 v9, $0x10  }
0x8a: {  	v22 =	vmul.f32 v20, v16;
	v24 =	vshll.u32 v8, $0x10;
	v15 =	vld.idx.msk [tilespmem:v12+s14+$0x0], $0xffff;
	v12 =	vshll.u32 v2, $0x10  }
0x8b: {  	v36 =	vmul.f32 v18, v17;
	v16 =	vadd.f32 v21, v10;
	v10 =	vshll.u32 v28, $0x10;
	v17 =	vld.idx.msk [tilespmem:v19+s11+$0x0], $0xffff  }
0x8c: {  	v20 =	vshll.u32 v30, $0x10;
	v21 =	vmul.f32 v27, v10;
	v10 =	vld [tilespmem:s20+$0x10]  }
0x8d: {  	v19 =	vadd.f32 v22, v13;
	v22 =	vshll.u32 v14, $0x10;
	v16 =	vadd.f32 v23, v16  }
0x8e: {  	v37 =	vmul.f32 v27, v28;
	v9 =	vmul.f32 v30, v9;
	v13 =	vshll.u32 v4, $0x10  }
.Ltmp0:
0x8f: {  	v38 =	vmul.f32 v29, v11;
	v24 =	vmul.f32 v7, v24;
	v27 =	vshll.u32 v7, $0x10;
	(pc) =	sbr.rel @p0 .LBB2_2-.Ltmp0, $4  }
0x90: {  	v11 =	vshll.u32 v3, $0x10;
	v28 =	vshll.u32 v15, $0x10;
	v23 =	vld.idx.msk [tilespmem:v26+s12+$0x0], $0xffff;
	v26 =	vmul.f32 v35, v34  }
0x91: {  	v18 =	vmul.f32 v30, v25;
	v31 =	vshll.u32 v17, $0x10;
	v34 =	vshll.u32 v34, $0x10  }
0x92: {  	v32 =	vadd.f32 v32, v19;
	v17 =	vmul.f32 v27, v17;
	v29 =	vadd.f32 v26, v37;
	v19 =	vld [tilespmem:s20+$0x20]  }
0x93: {  	v30 =	vadd.f32 v38, v36;
	v26 =	vshrl.u32 v10, $0x11;
	v25 =	vld.idx.msk [tilespmem:v33+s14+$0x0], $0xffff;
	v33 =	vmul.f32 v35, v34  }
0x94: {  	v27 =	vmul.f32 v27, v31;
	v28 =	vmul.f32 v28, v32  }
0x95: {  	v34 =	vshrl.u32 v10, $0x3;
	v14 =	vmul.f32 v20, v14;
	v51 =	vmul.f32 v20, v22  }
0x96: {  	v15 =	vmul.f32 v15, v16;
	v7 =	vmul.f32 v7, v8;
	v21 =	vadd.f32 v33, v21  }
0x97: {  	v62 =	vand.u32 $0x7, v10;
	v53 =	vadd.f32 v23, v29;
	v5 =	vadd.f32 v30, v5  }
0x98: {  	v6 =	vld.idx.msk [tilespmem:v6+s14+$0x0], $0xffff;
	v50 =	vand.u32 $0x3FFF, v34;
	v52 =	vadd.f32 v27, v24;
	v18 =	vadd.f32 v51, v18  }
0x99: {  	v54 =	vshll.u32 v23, $0x10;
	v7 =	vadd.f32 v17, v7;
	v15 =	vadd.f32 v28, v15  }
0x9a: {  	v63 =	vld [tilespmem:$0xC580];
	v9 =	vadd.f32 v14, v9;
	v16 =	vadd.f32 v54, v21;
	v55 =	vshrl.u32 v19, $0x11  }
0x9b: {  	v56 =	vshrl.u32 v19, $0x3;
	v57 =	vmul.f32 v25, v53;
	v58 =	vshll.u32 v25, $0x10  }
0x9c: {  	v26 =	vld.idx.msk [tilespmem:v26+s13+$0x0], $0xffff;
	v12 =	vadd.f32 v12, v52;
	v61 =	vand.u32 $0x3FFF, v56;
	v2 =	vadd.f32 v2, v7  }
0x9d: {  	v13 =	vadd.f32 v13, v18;
	v5 =	vadd.f32 v15, v5;
	v27 =	vshll.u32 v6, $0x10;
	v59 =	vld.idx.msk [tilespmem:v50+s3+$0x0], $0xffff  }
0x9e: {  	v4 =	vadd.f32 v4, v9;
	v60 =	vld.idx.msk [tilespmem:v50+s11+$0x0], $0xffff;
	v12 =	vmul.f32 v27, v12;
	v2 =	vmul.f32 v6, v2  }
0x9f: {  	v16 =	vmul.f32 v58, v16;
	v34 =	vshrl.u32 v63, $0x3;
	v37 =	vshrl.u32 v63, $0x11;
	v29 =	vld.idx.msk [tilespmem:v50+s12+$0x0], $0xffff  }
0xa0: {  	v11 =	vmul.f32 v11, v13;
	v3 =	vmul.f32 v3, v4;
	v28 =	vld.idx.msk [tilespmem:v55+s13+$0x0], $0xffff;
	v2 =	vadd.f32 v12, v2  }
0xa1: {  	v30 =	vshll.u32 v26, $0x10;
	v8 =	vadd.f32 v16, v57;
	v16 =	vand.u32 $0x3FFF, v34;
	v31 =	vld.idx.msk [tilespmem:v61+s3+$0x0], $0xffff  }
0xa2: {  	v3 =	vadd.f32 v11, v3;
	v36 =	vld.idx.msk [tilespmem:v61+s11+$0x0], $0xffff;
	v2 =	vadd.f32 v2, v5;
	v32 =	vmul.f32 v26, v59  }
0xa3: {  	v41 =	vld.idx.msk [tilespmem:v61+s12+$0x0], $0xffff;
	v33 =	vmul.f32 v30, v60;
	v35 =	vshll.u32 v59, $0x10;
	v20 =	vshll.u32 v60, $0x10  }
0xa4: {  	v24 =	vand.u32 $0x7, v19;
	v10 =	vld.idx.msk [tilespmem:v62+s14+$0x0], $0xffff;
	v21 =	vmul.f32 v26, v35;
	v13 =	vmul.f32 v30, v20  }
0xa5: {  	v50 =	vand.u32 $0x7, v63;
	v15 =	vld.idx.msk [tilespmem:v37+s13+$0x0], $0xffff;
	v40 =	vshll.u32 v29, $0x10;
	v2 =	vadd.f32 v3, v2  }
0xa6: {  	v44 =	vld.idx.msk [tilespmem:v16+s3+$0x0], $0xffff;
	v14 =	vadd.f32 v33, v32;
	v38 =	vshll.u32 v28, $0x10;
	v13 =	vadd.f32 v13, v21  }
0xa7: {  	v47 =	vld.idx.msk [tilespmem:v16+s11+$0x0], $0xffff;
	v42 =	vshll.u32 v31, $0x10;
	v43 =	vshll.u32 v36, $0x10;
	v6 =	vmul.f32 v28, v31  }
0xa8: {  	v9 =	vmul.f32 v38, v36;
	v51 =	vshll.u32 v41, $0x10;
	v2 =	vadd.f32 v8, v2  }
0xa9: {  	v39 =	vadd.f32 v29, v14;
	v45 =	vmul.f32 v28, v42;
	v46 =	vmul.f32 v38, v43  }
0xaa: {  	v48 =	vld.idx.msk [tilespmem:v24+s14+$0x0], $0xffff;
	v53 =	vshll.u32 v15, $0x10;
	v5 =	vadd.f32 v40, v13;
	v6 =	vadd.f32 v9, v6  }
0xab: {  	v4 =	vmul.f32 v10, v39;
	v49 =	vadd.f32 v46, v45;
	v10 =	vshll.u32 v10, $0x10  }
0xac: {  	v52 =	vld.idx.msk [tilespmem:v16+s12+$0x0], $0xffff;
	v54 =	vmul.f32 v15, v44;
	v55 =	vmul.f32 v53, v47;
	v56 =	vshll.u32 v44, $0x10  }
0xad: {  	v12 =	vshll.u32 v47, $0x10;
	v5 =	vmul.f32 v10, v5;
	v6 =	vadd.f32 v41, v6  }
0xae: {  	v11 =	vld.idx.msk [tilespmem:v50+s14+$0x0], $0xffff;
	v14 =	vmul.f32 v15, v56;
	v8 =	vmul.f32 v53, v12;
	v3 =	vadd.f32 v51, v49  }
0xaf: {  	v57 =	vshll.u32 v48, $0x10;
	v59 =	vadd.f32 v55, v54;
	v4 =	vadd.f32 v5, v4  }
0xb0: {  	v58 =	vmul.f32 v48, v6;
	v8 =	vadd.f32 v8, v14;
	v3 =	vmul.f32 v57, v3  }
0xb1: {  	v60 =	vshll.u32 v52, $0x10;
	v61 =	vadd.f32 v52, v59;
	v2 =	vadd.f32 v4, v2  }
0xb2: {  	v4 =	vadd.f32 v60, v8;
	v3 =	vadd.f32 v3, v58  }
0xb3: {  	v0 =	vadd.f32 v0, v1;
	v62 =	vshll.u32 v11, $0x10  }
0xb4: {  	v63 =	vmul.f32 v11, v61;
	v1 =	vmul.f32 v62, v4;
	v2 =	vadd.f32 v3, v2;
	_ =	sdelay $0x1  }
0xb5: {  	v1 =	vadd.f32 v1, v63;
	v0 =	vadd.f32 v0, v2;
	_ =	sdelay $0x1  }
0xb6: {  	s19 =	sadd.s32 $0x1, s19;
	v0 =	vadd.f32 v1, v0  }
0xb7: {  	p0 =	sne.s32 s19, s10  }
.Ltmp1:
0xb8: {  	[tilespmem:$0xC600] =	vst v0;
	(pc) =	sbr.rel @p0 .LBB2_1-.Ltmp1, $4  }
0xb9: {  	[hbm4b:s9+s3] =	stream.linear.scatter [tilespmem:s17], [sflag:$0x2], $0x80, $0x38;
	[tilespmem:$0xC680] =	vst v63  }
0xba: {  	_ =	swait.ge [sflag:s18], $0x80  }
0xbb: {  	[sflag:s18] =	ssyncset.done $0x0  }
0xbc: {  	[sflag:s18] =	ssyncadd.s32 $0xFFFFFF80  }
0xbd: {  	_ =	sfence.sel $0x180000  }
0xbe: {  	[bflag:$0x0] =	sbarrier.arrive $0xFFFF  }
0xbf: {  	p0 =	sne.s32 s2, $0x0;
	_ =	strace $0x90000047  }
0xc0: {  	s0 =	sadd.s32 @!p0 $0x100000, s0;
	[bflag:$0x2] =	sbarrier.arrive $0xFFFF  }
0xc1: {  	[sflag:s0] =	ssyncadd.tile.s32 @!p0 $0x1;
	_ =	shalt  }
.Lfunc_end2:
_tile_overlayer_lowered:
.L_overlay_start_2:
0xc2: {  	(tag) =	ssettag $0x2  }
0xc3: {  	s0 =	rddreg [dreg:$0x0];
	s2 =	stileid.u32  }
0xc4: {  	s1 =	rddreg [dreg:$0x1];
	p0 =	sne.s32 s2, $0x0  }
0xc5: {  	s3 =	rddreg [dreg:$0x2];
	[bflag:$0x3] =	sbarrier.arrive $0xFFFF;
	s2 =	simm.s32 @!p0 $0x1C02  }
0xc6: {  	[timem:s3], [sflag:s2] =	dma.local @!p0 [hbm:s0], s1  }
0xc7: {  	s0 =	simm.s32 @!p0 $0x2  }
0xc8: {  	_ =	swait.ge @!p0 [sflag:s0], s1  }
0xc9: {  	s1 =	ssub.s32 @!p0 $0x0, s1;
	[sflag:s0] =	ssyncset.done @!p0 $0x0  }
0xca: {  	[sflag:s0] =	ssyncadd.s32 @!p0 s1  }
0xcb: {  	[bflag:$0x3] =	sbarrier.arrive $0xFFFF  }
0xcc: {  	_ =	shalt  }

</sc_bundles>
